<compile_context>
chip_gen: v7x
topology: tpu7x:2x2x1
jax: 0.10.2.dev20260603
libtpu: 0.0.44.dev20260713+nightly
codegen_flags: <defaults>
</compile_context>

<pallas_src>
import functools

import jax
import jax.numpy as jnp
from jax import lax
from jax.experimental import pallas as pl
from jax.experimental.pallas import tpu as pltpu
from jax.experimental.pallas import tpu_sc as plsc


_MESH = plsc.VectorSubcoreMesh(
    core_axis_name="c", subcore_axis_name="s", num_cores=1, num_subcores=1
)


@functools.partial(
    pl.kernel,
    out_type=(
        jax.ShapeDtypeStruct((2,), jnp.float32),
        jax.ShapeDtypeStruct((4,), jnp.float32),
    ),
    mesh=_MESH,
    scratch_types=[pltpu.VMEM((16,), jnp.float32), pltpu.VMEM((16,), jnp.float32)],
)
def _sc_add_one(a0_hbm, a1_hbm, o0_hbm, o1_hbm, v0, v1):
    pltpu.sync_copy(a0_hbm, v0.at[pl.ds(0, 2)])
    pltpu.sync_copy(a1_hbm, v1.at[pl.ds(0, 4)])
    v0[...] = v0[...] + 1.0
    v1[...] = v1[...] + 1.0
    pltpu.sync_copy(v0.at[pl.ds(0, 2)], o0_hbm)
    pltpu.sync_copy(v1.at[pl.ds(0, 4)], o1_hbm)


def kernel(a0, a1):
    return _sc_add_one(a0, a1)

# --- scband reference (transcript-rebuilt; emitter-appended) ---
"""Pipeline reference for scband-mod-14714557956146 (READ-ONLY COPY).

The authoritative reference and input builder live on the scoring server;
editing this copy changes nothing except your own understanding.
"""

import jax, jax.numpy as jnp
import numpy as np


def setup_inputs(seed: int = 0) -> dict:
    key = jax.random.key(seed)
    k0, k1 = jax.random.split(key)
    # The torch module hard-codes a nested tensor of two components:
    #   torch.rand([2]) and torch.rand([4]).
    # We represent the nested tensor as a tuple of its component arrays.
    a0 = jax.random.uniform(k0, (2,), dtype=jnp.float32)
    a1 = jax.random.uniform(k1, (4,), dtype=jnp.float32)
    return {"a0": a0, "a1": a1}


def reference(a0, a1):
    # forward: self.a + 1 applied elementwise to each nested component
    return (a0 + 1.0, a1 + 1.0)

if __name__ == "__main__":
    import jax
    _d = setup_inputs()
    print(jax.jit(kernel)(*tuple(_d.values())))

</pallas_src>

<mosaic_0001>
#map = affine_map<(d0, d1) -> (0)>
module attributes {stable_mosaic.version = 14 : i64} {
  func.func @_sc_add_one(%arg0: i32, %arg1: i32, %arg2: memref<2xf32, #tpu.memory_space<hbm>>, %arg3: memref<4xf32, #tpu.memory_space<hbm>>, %arg4: memref<2xf32, #tpu.memory_space<hbm>>, %arg5: memref<4xf32, #tpu.memory_space<hbm>>, %arg6: memref<16xf32, #tpu.memory_space<vmem>>, %arg7: memref<16xf32, #tpu.memory_space<vmem>>) attributes {dimension_semantics = [#tpu.dimension_semantics<core_parallel>, #tpu.dimension_semantics<subcore_parallel>], iteration_bounds = array<i64: 1, 1>, scalar_prefetch = 0 : i64, scratch_operands = 2 : i64, tpu.core_type = #tpu.core_type<sc_vector_subcore>, window_params = [{transform_indices = #map}, {transform_indices = #map}, {transform_indices = #map}, {transform_indices = #map}]} {
    "tpu.region"() ({
      %run_scoped3A = tpu.sem_alloc : memref<!tpu.dma_semaphore, #tpu.memory_space<semaphore_mem>>
      %dma_start3A = arith.constant 0 : i32
      %dma_start3A_17 = tpu.memref_slice %arg6[%dma_start3A] : memref<16xf32, #tpu.memory_space<vmem>> -> memref<2xf32, #tpu.memory_space<vmem>>
      %dma_start3A_18 = arith.constant 0 : i32
      %dma_start3A_19 = tpu.memref_slice %arg6[%dma_start3A_18] : memref<16xf32, #tpu.memory_space<vmem>> -> memref<2xf32, #tpu.memory_space<vmem>>
      tpu.enqueue_dma source(%arg2 : memref<2xf32, #tpu.memory_space<hbm>>) target(%dma_start3A_19 : memref<2xf32, #tpu.memory_space<vmem>>) target_semaphore(%run_scoped3A : memref<!tpu.dma_semaphore, #tpu.memory_space<semaphore_mem>>)
      %dma_wait3A = arith.constant 0 : i32
      %dma_wait3A_20 = tpu.memref_slice %arg6[%dma_wait3A] : memref<16xf32, #tpu.memory_space<vmem>> -> memref<2xf32, #tpu.memory_space<vmem>>
      %dma_wait3A_21 = arith.constant 0 : i32
      %dma_wait3A_22 = tpu.memref_slice %arg6[%dma_wait3A_21] : memref<16xf32, #tpu.memory_space<vmem>> -> memref<2xf32, #tpu.memory_space<vmem>>
      tpu.wait_dma2 semaphore(%run_scoped3A : memref<!tpu.dma_semaphore, #tpu.memory_space<semaphore_mem>>) src(%arg2 : memref<2xf32, #tpu.memory_space<hbm>>) dst(%dma_wait3A_22 : memref<2xf32, #tpu.memory_space<vmem>>)
      tpu.yield
    }) : () -> ()
    "tpu.region"() ({
      %run_scoped3A = tpu.sem_alloc : memref<!tpu.dma_semaphore, #tpu.memory_space<semaphore_mem>>
      %dma_start3A = arith.constant 0 : i32
      %dma_start3A_17 = tpu.memref_slice %arg7[%dma_start3A] : memref<16xf32, #tpu.memory_space<vmem>> -> memref<4xf32, #tpu.memory_space<vmem>>
      %dma_start3A_18 = arith.constant 0 : i32
      %dma_start3A_19 = tpu.memref_slice %arg7[%dma_start3A_18] : memref<16xf32, #tpu.memory_space<vmem>> -> memref<4xf32, #tpu.memory_space<vmem>>
      tpu.enqueue_dma source(%arg3 : memref<4xf32, #tpu.memory_space<hbm>>) target(%dma_start3A_19 : memref<4xf32, #tpu.memory_space<vmem>>) target_semaphore(%run_scoped3A : memref<!tpu.dma_semaphore, #tpu.memory_space<semaphore_mem>>)
      %dma_wait3A = arith.constant 0 : i32
      %dma_wait3A_20 = tpu.memref_slice %arg7[%dma_wait3A] : memref<16xf32, #tpu.memory_space<vmem>> -> memref<4xf32, #tpu.memory_space<vmem>>
      %dma_wait3A_21 = arith.constant 0 : i32
      %dma_wait3A_22 = tpu.memref_slice %arg7[%dma_wait3A_21] : memref<16xf32, #tpu.memory_space<vmem>> -> memref<4xf32, #tpu.memory_space<vmem>>
      tpu.wait_dma2 semaphore(%run_scoped3A : memref<!tpu.dma_semaphore, #tpu.memory_space<semaphore_mem>>) src(%arg3 : memref<4xf32, #tpu.memory_space<hbm>>) dst(%dma_wait3A_22 : memref<4xf32, #tpu.memory_space<vmem>>)
      tpu.yield
    }) : () -> ()
    %get3A = arith.constant 0 : index
    %get3A_0 = tpu.vector_load %arg6[%get3A] {strides = array<i32>} : memref<16xf32, #tpu.memory_space<vmem>>, vector<16xf32>,
    %get3A_1 = vector.shape_cast %get3A_0 : vector<16xf32> to vector<16xf32>
    %add3A = arith.constant 1.000000e+00 : f32
    %add3A_2 = vector.broadcast %add3A : f32 to vector<16xf32>
    %add3A_3 = arith.addf %get3A_1, %add3A_2 : vector<16xf32>
    %swap3A = arith.constant 0 : index
    %swap3A_4 = tpu.vector_load %arg6[%swap3A] {strides = array<i32>} : memref<16xf32, #tpu.memory_space<vmem>>, vector<16xf32>,
    %swap3A_5 = vector.shape_cast %swap3A_4 : vector<16xf32> to vector<16xf32>
    %swap3A_6 = vector.shape_cast %add3A_3 : vector<16xf32> to vector<16xf32>
    tpu.vector_store %arg6[%swap3A], %swap3A_6 {strides = array<i32>} : memref<16xf32, #tpu.memory_space<vmem>>, vector<16xf32>,
    %get3A_7 = arith.constant 0 : index
    %get3A_8 = tpu.vector_load %arg7[%get3A_7] {strides = array<i32>} : memref<16xf32, #tpu.memory_space<vmem>>, vector<16xf32>,
    %get3A_9 = vector.shape_cast %get3A_8 : vector<16xf32> to vector<16xf32>
    %add3A_10 = arith.constant 1.000000e+00 : f32
    %add3A_11 = vector.broadcast %add3A_10 : f32 to vector<16xf32>
    %add3A_12 = arith.addf %get3A_9, %add3A_11 : vector<16xf32>
    %swap3A_13 = arith.constant 0 : index
    %swap3A_14 = tpu.vector_load %arg7[%swap3A_13] {strides = array<i32>} : memref<16xf32, #tpu.memory_space<vmem>>, vector<16xf32>,
    %swap3A_15 = vector.shape_cast %swap3A_14 : vector<16xf32> to vector<16xf32>
    %swap3A_16 = vector.shape_cast %add3A_12 : vector<16xf32> to vector<16xf32>
    tpu.vector_store %arg7[%swap3A_13], %swap3A_16 {strides = array<i32>} : memref<16xf32, #tpu.memory_space<vmem>>, vector<16xf32>,
    "tpu.region"() ({
      %run_scoped3A = tpu.sem_alloc : memref<!tpu.dma_semaphore, #tpu.memory_space<semaphore_mem>>
      %dma_start3A = arith.constant 0 : i32
      %dma_start3A_17 = tpu.memref_slice %arg6[%dma_start3A] : memref<16xf32, #tpu.memory_space<vmem>> -> memref<2xf32, #tpu.memory_space<vmem>>
      %dma_start3A_18 = arith.constant 0 : i32
      %dma_start3A_19 = tpu.memref_slice %arg6[%dma_start3A_18] : memref<16xf32, #tpu.memory_space<vmem>> -> memref<2xf32, #tpu.memory_space<vmem>>
      tpu.enqueue_dma source(%dma_start3A_19 : memref<2xf32, #tpu.memory_space<vmem>>) target(%arg4 : memref<2xf32, #tpu.memory_space<hbm>>) target_semaphore(%run_scoped3A : memref<!tpu.dma_semaphore, #tpu.memory_space<semaphore_mem>>)
      %dma_wait3A = arith.constant 0 : i32
      %dma_wait3A_20 = tpu.memref_slice %arg6[%dma_wait3A] : memref<16xf32, #tpu.memory_space<vmem>> -> memref<2xf32, #tpu.memory_space<vmem>>
      %dma_wait3A_21 = arith.constant 0 : i32
      %dma_wait3A_22 = tpu.memref_slice %arg6[%dma_wait3A_21] : memref<16xf32, #tpu.memory_space<vmem>> -> memref<2xf32, #tpu.memory_space<vmem>>
      tpu.wait_dma2 semaphore(%run_scoped3A : memref<!tpu.dma_semaphore, #tpu.memory_space<semaphore_mem>>) src(%dma_wait3A_22 : memref<2xf32, #tpu.memory_space<vmem>>) dst(%arg4 : memref<2xf32, #tpu.memory_space<hbm>>)
      tpu.yield
    }) : () -> ()
    "tpu.region"() ({
      %run_scoped3A = tpu.sem_alloc : memref<!tpu.dma_semaphore, #tpu.memory_space<semaphore_mem>>
      %dma_start3A = arith.constant 0 : i32
      %dma_start3A_17 = tpu.memref_slice %arg7[%dma_start3A] : memref<16xf32, #tpu.memory_space<vmem>> -> memref<4xf32, #tpu.memory_space<vmem>>
      %dma_start3A_18 = arith.constant 0 : i32
      %dma_start3A_19 = tpu.memref_slice %arg7[%dma_start3A_18] : memref<16xf32, #tpu.memory_space<vmem>> -> memref<4xf32, #tpu.memory_space<vmem>>
      tpu.enqueue_dma source(%dma_start3A_19 : memref<4xf32, #tpu.memory_space<vmem>>) target(%arg5 : memref<4xf32, #tpu.memory_space<hbm>>) target_semaphore(%run_scoped3A : memref<!tpu.dma_semaphore, #tpu.memory_space<semaphore_mem>>)
      %dma_wait3A = arith.constant 0 : i32
      %dma_wait3A_20 = tpu.memref_slice %arg7[%dma_wait3A] : memref<16xf32, #tpu.memory_space<vmem>> -> memref<4xf32, #tpu.memory_space<vmem>>
      %dma_wait3A_21 = arith.constant 0 : i32
      %dma_wait3A_22 = tpu.memref_slice %arg7[%dma_wait3A_21] : memref<16xf32, #tpu.memory_space<vmem>> -> memref<4xf32, #tpu.memory_space<vmem>>
      tpu.wait_dma2 semaphore(%run_scoped3A : memref<!tpu.dma_semaphore, #tpu.memory_space<semaphore_mem>>) src(%dma_wait3A_22 : memref<4xf32, #tpu.memory_space<vmem>>) dst(%arg5 : memref<4xf32, #tpu.memory_space<hbm>>)
      tpu.yield
    }) : () -> ()
    return
  }
}

</mosaic_0001>

<sc_bundles>
// kernel: kernel.3.cloned.1.call-start
scs
__scs_entry_jumppad:
0x0: {  	(pc) =	sbr.rel $0x88, $3  }
0x1: {  	(tag) =	ssettag $0x0;
	lr =	simm.s32 $0x1  }
0x2: {  	[smem:$0x3F9F] =	sst lr;
	_ =	strace $0xD0000000  }
0x3: {  	_ = 	snop  }
0x4: {  	_ = 	snop  }
0x5: {  	_ = 	snop  }
0x6: {  	_ = 	snop  }
0x7: {  	_ = 	snop  }
__scs_overlays_trampoline_lowered:
0x8: {  	[smem:$0x3FAE] =	sst s0  }
0x9: {  	[smem:$0x3FAF] =	sst s1  }
0xa: {  	[smem:$0x3FB0] =	sst s2  }
0xb: {  	[smem:$0x3FB1] =	sst s3  }
0xc: {  	[smem:$0x3FB2] =	sst s4  }
0xd: {  	[smem:$0x3FB3] =	sst s5  }
0xe: {  	[smem:$0x3FB4] =	sst s6  }
0xf: {  	[smem:$0x3FB5] =	sst s7  }
0x10: {  	[smem:$0x3FB6] =	sst s8  }
0x11: {  	[smem:$0x3FB7] =	sst s9;
	s0 =	simm.s32 @!p0 $0x0  }
0x12: {  	s1 =	sld [smem:$0x3F9D];
	s0 =	simm.s32 @p0 $0x1  }
0x13: {  	[smem:$0x3FB8] =	sst s0;
	s0 =	simm.s32 @!p1 $0x0  }
0x14: {  	s2 =	sld [smem:$0x3F9C];
	s0 =	simm.s32 @p1 $0x1  }
0x15: {  	[smem:$0x3FB9] =	sst s0;
	s0 =	simm.s32 @!p2 $0x0  }
0x16: {  	s3 =	sld [smem:$0x3FDB];
	s0 =	simm.s32 @p2 $0x1  }
0x17: {  	s4 =	simm.s32 $0x1BF5;
	[smem:$0x3FBB] =	sst s0  }
0x18: {  	s0 =	sld [smem:$0x3F9E];
	_ =	swait.ge [sflag:s4], $0x0  }
0x19: {  	s7 =	sld [smem:$0x3F9F]  }
0x1a: {  	s8 =	sadd.s32 $0xFFFFE003, lr  }
0x1b: {  	s9 =	sadd.s32 $0xFFFFFEF7, lr;
	s5 =	simm.s32 $0xFFFFFFFF;
	p2 =	slt.u32 s8, $0xFFFFF086  }
0x1c: {  	p1 =	slt.u32 s9, $0xF7A;
	s5 =	simm.s32 @!p2 $0x0  }
0x1d: {  	s5 =	simm.s32 @p1 $0x1;
	p0 =	seq.s32 s7, s2  }
0x1e: {  	s7 =	smul.u32 @!p0 $0xF7A, s2;
	p2 =	seq.s32 @!p0 s5, $0x0  }
0x1f: {  	s9 =	smul.u32 $0xF7A, s1;
	s8 =	simm.s32 @!p0 $0x1BF5;
	p2 =	por !p2, p0  }
0x20: {  	[sflag:s8] =	ssyncset.s32 @!p0 $0xFFFFF086;
	s6 =	sadd.s32 @!p0 s3, s7;
	s7 =	simm.s32 @!p0 $0x108  }
0x21: {  	s3 =	sadd.s32 s3, s9;
	s6 =	sadd.s32 @!p0 $0x88, s6;
	s7 =	simm.s32 @p2 $0x1082  }
0x22: {  	[simem:s7], [sflag:s8] =	dma.local @!p0 [hbm:s6], $0xF7A  }
0x23: {  	s9 =	sor.u32 $0xD0000000, s2;
	s6 =	simm.s32 $0x108;
	_ =	swait.ge @!p0 [sflag:s8], $0x0  }
0x24: {  	s3 =	sadd.s32 $0x88, s3;
	s6 =	simm.s32 @!p1 $0x1082;
	[sflag:s4] =	ssyncset.s32 $0xFFFFF086  }
0x25: {  	[simem:s6], [sflag:s4] =	dma.local [hbm:s3], $0xF7A  }
0x26: {  	[smem:$0x3F9F] =	sst s1;
	(tag) =	ssettag s2;
	_ =	strace s9  }
0x27: {  	s1 =	sld [smem:$0x3FAF]  }
0x28: {  	s2 =	sld [smem:$0x3FB0]  }
0x29: {  	s4 =	sld [smem:$0x3FB2]  }
0x2a: {  	p0 =	seq.s32 s5, $0x0;
	s5 =	sld [smem:$0x3FB3]  }
0x2b: {  	s6 =	sld [smem:$0x3FB4]  }
0x2c: {  	s7 =	sld [smem:$0x3FB5]  }
0x2d: {  	s3 =	simm.s32 $0x108;
	s8 =	sld [smem:$0x3FB6]  }
0x2e: {  	s3 =	simm.s32 @!p0 $0x1082;
	s9 =	sld [smem:$0x3FB7]  }
0x2f: {  	lr =	sadd.s32 s0, s3;
	s0 =	sld [smem:$0x3FAE]  }
0x30: {  	s3 =	sld [smem:$0x3FB1]  }
0x31: {  	[smem:$0x3FBA] =	sst s10  }
0x32: {  	s10 =	sld [smem:$0x3FB8];
	_ =	sdelay $0x3  }
0x33: {  	p0 =	seq.s32 s10, $0x1;
	s10 =	sld [smem:$0x3FBA];
	_ =	sdelay $0x3  }
0x34: {  	[smem:$0x3FBA] =	sst s10  }
0x35: {  	s10 =	sld [smem:$0x3FB9];
	_ =	sdelay $0x3  }
0x36: {  	p1 =	seq.s32 s10, $0x1;
	s10 =	sld [smem:$0x3FBA];
	_ =	sdelay $0x3  }
0x37: {  	[smem:$0x3FBA] =	sst s10  }
0x38: {  	s10 =	sld [smem:$0x3FBB]  }
0x39: {  	_ = 	snop;
	(pc) =	sbr.ind lr, $3  }
0x3a: {  	_ = 	snop  }
0x3b: {  	_ = 	snop  }
0x3c: {  	p2 =	seq.s32 s10, $0x1;
	s10 =	sld [smem:$0x3FBA]  }
0x3d: {  	_ =	shalt  }
0x3e: {  	_ =	shalt  }
0x3f: {  	_ =	shalt  }
0x40: {  	_ =	shalt  }
0x41: {  	_ =	shalt  }
0x42: {  	_ =	shalt  }
0x43: {  	_ =	shalt  }
0x44: {  	_ =	shalt  }
0x45: {  	_ =	shalt  }
0x46: {  	_ =	shalt  }
0x47: {  	_ =	shalt  }
0x48: {  	_ =	shalt  }
0x49: {  	_ =	shalt  }
0x4a: {  	_ =	shalt  }
0x4b: {  	_ =	shalt  }
0x4c: {  	_ =	shalt  }
0x4d: {  	_ =	shalt  }
0x4e: {  	_ =	shalt  }
0x4f: {  	_ =	shalt  }
0x50: {  	_ =	shalt  }
0x51: {  	_ =	shalt  }
0x52: {  	_ =	shalt  }
0x53: {  	_ =	shalt  }
0x54: {  	_ =	shalt  }
0x55: {  	_ =	shalt  }
0x56: {  	_ =	shalt  }
0x57: {  	_ =	shalt  }
0x58: {  	_ =	shalt  }
0x59: {  	_ =	shalt  }
0x5a: {  	_ =	shalt  }
0x5b: {  	_ =	shalt  }
0x5c: {  	_ =	shalt  }
0x5d: {  	_ =	shalt  }
0x5e: {  	_ =	shalt  }
0x5f: {  	_ =	shalt  }
0x60: {  	_ =	shalt  }
0x61: {  	_ =	shalt  }
0x62: {  	_ =	shalt  }
0x63: {  	_ =	shalt  }
0x64: {  	_ =	shalt  }
0x65: {  	_ =	shalt  }
0x66: {  	_ =	shalt  }
0x67: {  	_ =	shalt  }
0x68: {  	_ =	shalt  }
0x69: {  	_ =	shalt  }
0x6a: {  	_ =	shalt  }
0x6b: {  	_ =	shalt  }
0x6c: {  	_ =	shalt  }
0x6d: {  	_ =	shalt  }
0x6e: {  	_ =	shalt  }
0x6f: {  	_ =	shalt  }
0x70: {  	_ =	shalt  }
0x71: {  	_ =	shalt  }
0x72: {  	_ =	shalt  }
0x73: {  	_ =	shalt  }
0x74: {  	_ =	shalt  }
0x75: {  	_ =	shalt  }
0x76: {  	_ =	shalt  }
0x77: {  	_ =	shalt  }
0x78: {  	_ =	shalt  }
0x79: {  	_ =	shalt  }
0x7a: {  	_ =	shalt  }
0x7b: {  	_ =	shalt  }
0x7c: {  	_ =	shalt  }
0x7d: {  	_ =	shalt  }
0x7e: {  	_ =	shalt  }
0x7f: {  	_ =	shalt  }
0x80: {  	_ =	shalt  }
0x81: {  	_ =	shalt  }
0x82: {  	_ =	shalt  }
0x83: {  	_ =	shalt  }
0x84: {  	_ =	shalt  }
0x85: {  	_ =	shalt  }
0x86: {  	_ =	shalt  }
0x87: {  	_ =	shalt  }
.Lfunc_end0:
.L_simem_size_0:
called_computation_lowered:
.L_overlay_start_0:
0x88: {  	s0 =	sld [smem:$0x3FD9]  }
0x89: {  	s1 =	sld [smem:$0x3FFE];
	_ =	sdelay $0x3  }
0x8a: {  	s0 =	sadd.s32 s1, s0  }
0x8b: {  	[smem:$0x3FC6] =	sst s0  }
0x8c: {  	_ = 	snop  }
0x8d: {  	s0 =	sld [smem:$0x3FD0];
	_ =	sdelay $0x1  }
0x8e: {  	s14 =	sld [smem:$0x3FC9]  }
0x8f: {  	s3 =	simm.s32 $0xA;
	s4 =	simm.s32 $0x10;
	s2 =	sld [smem:$0x3FC8]  }
0x90: {  	[smem:s4], [sflag:s3] =	dma.local [hbm:s0], $0x1  }
0x91: {  	_ =	swait.eq [sflag:s3], $0x1  }
0x92: {  	[sflag:s3] =	ssyncset.done $0x0  }
0x93: {  	s15 =	sld [smem:$0x10];
	[sflag:s3] =	ssyncadd.s32 $0xFFFFFFFF  }
0x94: {  	s16 =	sld [smem:$0x11];
	(tm) =	ssettm $0x1  }
0x95: {  	s17 =	sld [smem:$0x3FFB];
	_ =	sdelay $0x3  }
0x96: {  	_ =	strace s17  }
0x97: {  	s4 =	sld [smem:$0x3FFC];
	_ =	sdelay $0x3  }
0x98: {  	_ =	strace s4  }
0x99: {  	s4 =	sld [smem:$0x3FFD];
	_ =	sdelay $0x3  }
0x9a: {  	_ =	strace s4  }
0x9b: {  	_ =	strace $0x8FFFFFFF  }
0x9c: {  	s18 =	sld [smem:$0x3FDB];
	_ =	sdelay $0x1  }
0x9d: {  	s5 =	simm.s32 $_scs_section_size  }
0x9e: {  	s6 =	simm.s32 $_size__tile_overlayer_lowered;
	s7 =	simm.s32 $_tile_overlayer_lowered  }
0x9f: {  	s21 =	simm.s32 $0x1BFF;
	s20 =	sshll.u32 s7, $0x1;
	s4 =	sadd.s32 s5, s18  }
0xa0: {  	s8 =	simm.s32 $0x0;
	s19 =	sshll.u32 s6, $0x1;
	s6 =	sadd.s32 s20, s4  }
0xa1: {  	[timem:s8], [sflag:s21] =	dma.local [hbm:s6], s19  }
0xa2: {  	_ =	swait.ge [sflag:s21], s19  }
0xa3: {  	s5 =	ssub.s32 $0x0, s19;
	[sflag:s21] =	ssyncset.done $0x0  }
0xa4: {  	[sflag:s21] =	ssyncadd.s32 s5;
	_ =	sdelay $0x1  }
0xa5: {  	s22 =	simm.s32 $0x1B8B  }
0xa6: {  	_ =	swait.ge [sflag:s22], $0x1  }
0xa7: {  	[sflag:s22] =	ssyncset.done $0x0  }
0xa8: {  	s23 =	simm.s32 $0x1B8E;
	[sflag:s22] =	ssyncadd.s32 $0xFFFFFFFF  }
0xa9: {  	s24 =	simm.s32 $execute0_lowered;
	[smem:$0x3FD2] =	sst s23  }
0xaa: {  	s5 =	sshll.u32 s24, $0x1;
	_ =	strace $0x80000046;
	[dreg:$0x1] =	wrdreg $0xFFFFFFFF  }
0xab: {  	s25 =	simm.s32 $_size_execute0_lowered;
	s4 =	sadd.s32 s4, s5;
	[dreg:$0x0] =	wrdreg $0x0  }
0xac: {  	s5 =	sshll.u32 s25, $0x1;
	[dreg:$0x2] =	wrdreg s4  }
0xad: {  	[dreg:$0x3] =	wrdreg s5  }
0xae: {  	[dreg:$0x4] =	wrdreg $0xC0  }
0xaf: {  	_ =	task [dreg:s8], $0x5FFFF  }
0xb0: {  	[dreg:$0x1] =	wrdreg $0xFFFFFFFF  }
0xb1: {  	[dreg:$0x0] =	wrdreg $0x60  }
0xb2: {  	[dreg:$0x2] =	wrdreg s14  }
0xb3: {  	[dreg:$0x3] =	wrdreg s2  }
0xb4: {  	[dreg:$0x4] =	wrdreg s15  }
0xb5: {  	[dreg:$0x5] =	wrdreg s16  }
0xb6: {  	[dreg:$0x6] =	wrdreg $0x9  }
0xb7: {  	_ =	task.clear_ibuf [dreg:s8], $0x7FFFF;
	_ =	strace $0x90000046  }
0xb8: {  	s26 =	simm.s32 $0x9;
	_ =	strace $0x80000048  }
0xb9: {  	_ =	swait.ge [sflag:s26], $0x1  }
0xba: {  	[sflag:s26] =	ssyncadd.s32 $0xFFFFFFFF  }
0xbb: {  	_ =	strace $0x90000048  }
0xbc: {  	_ =	sfence  }
0xbd: {  	s28 =	sld [smem:$0x0];
	_ =	sdelay $0x1  }
0xbe: {  	s29 =	srdreg.scid  }
0xbf: {  	s30 =	sshll.u32 s29, $0xD;
	s31 =	sshrl.u32 s29, $0x2  }
0xc0: {  	s1 =	sand.u32 $0x1, s29;
	s2 =	sand.u32 $0x4000, s30;
	s0 =	sadd.s32 s31, s28  }
0xc1: {  	s1 =	sor.u32 s2, s1;
	s0 =	sshll.u32 s0, $0x11  }
0xc2: {  	s0 =	sor.u32 s0, s1  }
0xc3: {  	s0 =	sadd.s32 $0x8F2B, s0  }
0xc4: {  	[sflag:s0] =	ssyncadd.remote.s32 $0x1  }
0xc5: {  	_ =	sfence.sel $0xFFFF  }
0xc6: {  	[dreg:$0x0] =	wrdreg $0xFFFFFFFF;
	(pc) =	sbr.abs _section_cstart, $3  }
0xc7: {  	[dreg:$0x1] =	wrdreg $0xFFFFFFFF  }
0xc8: {  	_ =	task.clear_ibuf [dreg:s8], $0x2FFFF;
	_ =	strace $0x9FFFFFFF  }
0xc9: {  	(tm) =	ssettm $0x7FFFFFFF  }
tec
execute0_lowered:
.L_overlay_start_1:
0x0: {  	(tag) =	ssettag $0x1  }
0x1: {  	s0 =	rddreg [dreg:$0x0]  }
0x2: {  	s1 =	rddreg [dreg:$0x1]  }
0x3: {  	s2 =	rddreg [dreg:$0x2];
	s4 =	stileid.u32  }
0x4: {  	s3 =	rddreg [dreg:$0x3];
	p0 =	sne.s32 s4, $0x0  }
0x5: {  	s5 =	rddreg [dreg:$0x4];
	_ =	strace $0x80000047;
	s4 =	simm.s32 @!p0 $0x0  }
0x6: {  	[tilespmem:s4], [sflag:$0x1] =	stream.linear.gather @!p0 [hbm4b:s0+s4], $0x2, $0x38;
	[tilespmem:$0x100] =	vst v63  }
0x7: {  	s0 =	simm.s32 @!p0 $0x1  }
0x8: {  	_ =	swait.ge @!p0 [sflag:s0], $0x2  }
0x9: {  	[sflag:s0] =	ssyncset.done @!p0 $0x0  }
0xa: {  	s6 =	simm.s32 @!p0 $0x80;
	[sflag:s0] =	ssyncadd.s32 @!p0 $0xFFFFFFFE  }
0xb: {  	[tilespmem:s6], [sflag:$0x1] =	stream.linear.gather @!p0 [hbm4b:s1+s4], $0x4, $0x38;
	[tilespmem:$0x100] =	vst v63  }
0xc: {  	_ =	swait.ge @!p0 [sflag:s0], $0x4  }
0xd: {  	[sflag:s0] =	ssyncset.done @!p0 $0x0  }
0xe: {  	[sflag:s0] =	ssyncadd.s32 @!p0 $0xFFFFFFFC  }
0xf: {  	v0 =	vld @!p0 [tilespmem:$0x0]  }
0x10: {  	v1 =	vld @!p0 [tilespmem:$0x80];
	_ =	sdelay $0x3  }
0x11: {  	v0 =	vadd.f32 @!p0 $1.000000000e+00, v0  }
0x12: {  	v1 =	vadd.f32 @!p0 $1.000000000e+00, v1  }
0x13: {  	[tilespmem:$0x0] =	vst @!p0 v0  }
0x14: {  	[tilespmem:$0x80] =	vst @!p0 v1  }
0x15: {  	[hbm4b:s2+s4] =	stream.linear.scatter @!p0 [tilespmem:s4], [sflag:$0x1], $0x2, $0x38;
	[tilespmem:$0x100] =	vst v63  }
0x16: {  	_ =	swait.ge @!p0 [sflag:s0], $0x2  }
0x17: {  	[sflag:s0] =	ssyncset.done @!p0 $0x0  }
0x18: {  	[sflag:s0] =	ssyncadd.s32 @!p0 $0xFFFFFFFE  }
0x19: {  	[hbm4b:s3+s4] =	stream.linear.scatter @!p0 [tilespmem:s6], [sflag:$0x1], $0x4, $0x38;
	[tilespmem:$0x100] =	vst v63  }
0x1a: {  	_ =	swait.ge @!p0 [sflag:s0], $0x4  }
0x1b: {  	[sflag:s0] =	ssyncset.done @!p0 $0x0  }
0x1c: {  	[sflag:s0] =	ssyncadd.s32 @!p0 $0xFFFFFFFC  }
0x1d: {  	_ =	sfence.sel $0x180000  }
0x1e: {  	[bflag:$0x0] =	sbarrier.arrive $0xFFFF  }
0x1f: {  	_ =	strace $0x90000047  }
0x20: {  	s0 =	sadd.s32 @!p0 $0x100000, s5;
	[bflag:$0x2] =	sbarrier.arrive $0xFFFF  }
0x21: {  	[sflag:s0] =	ssyncadd.tile.s32 @!p0 $0x1;
	_ =	shalt  }
.Lfunc_end2:
_tile_overlayer_lowered:
.L_overlay_start_2:
0x22: {  	(tag) =	ssettag $0x2  }
0x23: {  	s0 =	rddreg [dreg:$0x0];
	s2 =	stileid.u32  }
0x24: {  	s1 =	rddreg [dreg:$0x1];
	p0 =	sne.s32 s2, $0x0  }
0x25: {  	s3 =	rddreg [dreg:$0x2];
	[bflag:$0x3] =	sbarrier.arrive $0xFFFF;
	s2 =	simm.s32 @!p0 $0x1C01  }
0x26: {  	[timem:s3], [sflag:s2] =	dma.local @!p0 [hbm:s0], s1  }
0x27: {  	s0 =	simm.s32 @!p0 $0x1  }
0x28: {  	_ =	swait.ge @!p0 [sflag:s0], s1  }
0x29: {  	s1 =	ssub.s32 @!p0 $0x0, s1;
	[sflag:s0] =	ssyncset.done @!p0 $0x0  }
0x2a: {  	[sflag:s0] =	ssyncadd.s32 @!p0 s1  }
0x2b: {  	[bflag:$0x3] =	sbarrier.arrive $0xFFFF  }
0x2c: {  	_ =	shalt  }

</sc_bundles>
